<compile_context>
chip_gen: v7x
topology: tpu7x:2x2x1
jax: 0.10.2.dev20260603
libtpu: 0.0.44.dev20260713+nightly
codegen_flags: <defaults>
</compile_context>

<pallas_src>
import functools

import jax
import jax.numpy as jnp
from jax import lax
from jax.experimental import pallas as pl
from jax.experimental.pallas import tpu as pltpu
from jax.experimental.pallas import tpu_sc as plsc

_UNITS = 26
_LOWER = -17.0
_UPPER = 8.0
_BW = 0.05
_NUM_BUCKETS = int((_UPPER - _LOWER) / _BW) + 1
_RESIDUE = _LOWER - _BW
_BATCH = 4096

_KPAD = 512
_CHUNKS = _KPAD // 16


def _sc_body(x_hbm, w_hbm, b_hbm, out_hbm,
             x_v, out_v, w_v, b_v, t1_v, t2_v, sem, sem_wb):
    u = lax.axis_index("s") * 2 + lax.axis_index("c")

    @pl.when(u < _UNITS)
    def _():
        base = u * _BATCH
        c1 = pltpu.async_copy(x_hbm.at[pl.ds(base, _BATCH)], x_v, sem)
        c2 = pltpu.async_copy(w_hbm.at[pl.ds(u * _KPAD, _KPAD)], w_v, sem_wb)
        c3 = pltpu.async_copy(b_hbm, b_v, sem_wb)
        c2.wait()
        c3.wait()

        bias_u = plsc.load_gather(b_v, [u + jnp.zeros((16,), jnp.int32)])

        def chunk(c, carry):
            v = jnp.maximum(w_v[pl.ds(c * 16, 16)], jnp.float32(0.0))
            incl = plsc.cumsum(v)
            t1_v[pl.ds(c * 16, 16)] = (
                (incl - v + carry) * jnp.float32(_BW)
                + jnp.float32(_RESIDUE) + bias_u
            )
            t2_v[pl.ds(c * 16, 16)] = v
            return carry + jnp.sum(v)

        lax.fori_loop(0, _CHUNKS, chunk, jnp.zeros((16,), jnp.float32))
        c1.wait()

        @plsc.parallel_loop(0, _BATCH, step=16, unroll=4)
        def _loop(off):
            xv = x_v[pl.ds(off, 16)]
            xc = jnp.clip(xv, jnp.float32(_LOWER + 1e-9), jnp.float32(_UPPER - 1e-9))
            t = (xc - jnp.float32(_LOWER) + jnp.float32(_BW)) * jnp.float32(1.0 / _BW)
            idx = jnp.clip(t.astype(jnp.int32), 0, _NUM_BUCKETS - 1)
            delta = (
                xc - jnp.float32(_LOWER) + jnp.float32(_BW)
                - idx.astype(jnp.float32) * jnp.float32(_BW)
            )
            g1 = plsc.load_gather(t1_v, [idx])
            g2 = plsc.load_gather(t2_v, [idx])
            z = g1 + delta * g2
            out_v[pl.ds(off, 16)] = (
                jnp.float32(1.0) / (jnp.float32(1.0) + jnp.exp(-z))
            )

        pltpu.sync_copy(out_v, out_hbm.at[pl.ds(base, _BATCH)])


def kernel(x, weights, bias):
    wp = jnp.pad(weights, ((0, 0), (0, _KPAD - _NUM_BUCKETS))).reshape(-1)
    bp = jnp.pad(bias, (0, 32 - _UNITS))
    xt = x.T.reshape(-1)
    mesh = plsc.VectorSubcoreMesh(core_axis_name="c", subcore_axis_name="s")
    run = functools.partial(
        pl.kernel,
        mesh=mesh,
        out_type=jax.ShapeDtypeStruct((_UNITS * _BATCH,), jnp.float32),
        scratch_types=[
            pltpu.VMEM((_BATCH,), jnp.float32),
            pltpu.VMEM((_BATCH,), jnp.float32),
            pltpu.VMEM((_KPAD,), jnp.float32),
            pltpu.VMEM((32,), jnp.float32),
            pltpu.VMEM((_KPAD,), jnp.float32),
            pltpu.VMEM((_KPAD,), jnp.float32),
            pltpu.SemaphoreType.DMA,
            pltpu.SemaphoreType.DMA,
        ],
        compiler_params=pltpu.CompilerParams(needs_layout_passes=False),
    )(_sc_body)
    out = run(xt, wp, bp)
    return out.reshape(_UNITS, _BATCH).T

# --- scband reference (transcript-rebuilt; emitter-appended) ---
"""Pipeline reference for scband-isotonic-layer-13202729468219 (READ-ONLY COPY).

The authoritative reference and input builder live on the scoring server;
editing this copy changes nothing except your own understanding.
"""

import jax, jax.numpy as jnp
import numpy as np

UNITS = 26
LOWER = -17.0
UPPER = 8.0
BW = 0.05
NUM_BUCKETS = int((UPPER - LOWER) / BW) + 1
RESIDUE = LOWER - BW
BATCH = 4096


def setup_inputs(seed: int = 0) -> dict:
    key = jax.random.key(seed)
    kx = jax.random.fold_in(key, 0)
    x = jax.random.normal(kx, (BATCH, UNITS), dtype=jnp.float32)
    weights = jnp.ones((UNITS, NUM_BUCKETS), dtype=jnp.float32) * 0.5
    bias = jnp.zeros((UNITS,), dtype=jnp.float32)
    return {"x": x, "weights": weights, "bias": bias}


def reference(x, weights, bias):
    # clip input to valid range
    x_clipped = jnp.clip(x, LOWER + 1e-09, UPPER - 1e-09)
    # bucket indices (non-differentiable, matches torch .long())
    idx_f = jax.lax.stop_gradient((x_clipped - LOWER + BW) / BW)
    idx = idx_f.astype(jnp.int32)
    idx = jnp.clip(idx, 0, NUM_BUCKETS - 1)
    bucket_range = jnp.arange(NUM_BUCKETS, dtype=jnp.int32).reshape(1, 1, -1)
    exp_idx = idx[:, :, None]
    # full bucket_width for all lower buckets
    activation = jnp.where(bucket_range < exp_idx, jnp.float32(BW), jnp.float32(0.0))
    # fractional contribution of current bucket (differentiable w.r.t. x)
    delta = x_clipped - LOWER + BW - idx.astype(jnp.float32) * BW
    # scatter delta into the current-bucket slot (equivalent to torch scatter_ on dim 2)
    final_activation = jnp.where(bucket_range == exp_idx, delta[:, :, None], activation)
    non_negative_weights = jax.nn.relu(weights)
    logits = jnp.sum(final_activation * non_negative_weights[None, :, :], axis=2) + RESIDUE + bias
    return jax.nn.sigmoid(logits)

if __name__ == "__main__":
    import jax
    _d = setup_inputs()
    print(jax.jit(kernel)(*tuple(_d.values())))

</pallas_src>

<mosaic_0001>
#map = affine_map<(d0, d1) -> (0)>
module attributes {stable_mosaic.version = 14 : i64} {
  func.func @_sc_body(%arg0: i32, %arg1: i32, %arg2: memref<106496xf32, #tpu.memory_space<hbm>>, %arg3: memref<13312xf32, #tpu.memory_space<hbm>>, %arg4: memref<32xf32, #tpu.memory_space<hbm>>, %arg5: memref<106496xf32, #tpu.memory_space<hbm>>, %arg6: memref<4096xf32, #tpu.memory_space<vmem>>, %arg7: memref<4096xf32, #tpu.memory_space<vmem>>, %arg8: memref<512xf32, #tpu.memory_space<vmem>>, %arg9: memref<32xf32, #tpu.memory_space<vmem>>, %arg10: memref<512xf32, #tpu.memory_space<vmem>>, %arg11: memref<512xf32, #tpu.memory_space<vmem>>, %arg12: memref<!tpu.dma_semaphore, #tpu.memory_space<semaphore_mem>>, %arg13: memref<!tpu.dma_semaphore, #tpu.memory_space<semaphore_mem>>) attributes {dimension_semantics = [#tpu.dimension_semantics<core_parallel>, #tpu.dimension_semantics<subcore_parallel>], iteration_bounds = array<i64: 2, 16>, scalar_prefetch = 0 : i64, scratch_operands = 8 : i64, tpu.core_type = #tpu.core_type<sc_vector_subcore>, window_params = [{transform_indices = #map}, {transform_indices = #map}, {transform_indices = #map}, {transform_indices = #map}]} {
    %mul3A = arith.constant 2 : i32
    %mul3A_0 = arith.muli %arg1, %mul3A : i32
    %add3A = arith.addi %mul3A_0, %arg0 : i32
    %lt3A = arith.constant 26 : i32
    %lt3A_1 = arith.cmpi slt, %add3A, %lt3A : i32
    %convert_element_type3A = arith.extui %lt3A_1 : i1 to i32
    %cond3A = arith.constant 0 : i32
    %cond3A_2 = arith.cmpi ne, %convert_element_type3A, %cond3A : i32
    scf.if %cond3A_2 {
      %mul3A_3 = arith.constant 4096 : i32
      %mul3A_4 = arith.muli %add3A, %mul3A_3 : i32
      %dma_start3A = tpu.memref_slice %arg2[%mul3A_4] : memref<106496xf32, #tpu.memory_space<hbm>> -> memref<4096xf32, #tpu.memory_space<hbm>>
      %dma_start3A_5 = tpu.memref_slice %arg2[%mul3A_4] : memref<106496xf32, #tpu.memory_space<hbm>> -> memref<4096xf32, #tpu.memory_space<hbm>>
      tpu.enqueue_dma source(%dma_start3A_5 : memref<4096xf32, #tpu.memory_space<hbm>>) target(%arg6 : memref<4096xf32, #tpu.memory_space<vmem>>) target_semaphore(%arg12 : memref<!tpu.dma_semaphore, #tpu.memory_space<semaphore_mem>>)
      %mul3A_6 = arith.constant 512 : i32
      %mul3A_7 = arith.muli %add3A, %mul3A_6 : i32
      %dma_start3A_8 = tpu.memref_slice %arg3[%mul3A_7] : memref<13312xf32, #tpu.memory_space<hbm>> -> memref<512xf32, #tpu.memory_space<hbm>>
      %dma_start3A_9 = tpu.memref_slice %arg3[%mul3A_7] : memref<13312xf32, #tpu.memory_space<hbm>> -> memref<512xf32, #tpu.memory_space<hbm>>
      tpu.enqueue_dma source(%dma_start3A_9 : memref<512xf32, #tpu.memory_space<hbm>>) target(%arg8 : memref<512xf32, #tpu.memory_space<vmem>>) target_semaphore(%arg13 : memref<!tpu.dma_semaphore, #tpu.memory_space<semaphore_mem>>)
      tpu.enqueue_dma source(%arg4 : memref<32xf32, #tpu.memory_space<hbm>>) target(%arg9 : memref<32xf32, #tpu.memory_space<vmem>>) target_semaphore(%arg13 : memref<!tpu.dma_semaphore, #tpu.memory_space<semaphore_mem>>)
      %dma_wait3A = tpu.memref_slice %arg3[%mul3A_7] : memref<13312xf32, #tpu.memory_space<hbm>> -> memref<512xf32, #tpu.memory_space<hbm>>
      %dma_wait3A_10 = tpu.memref_slice %arg3[%mul3A_7] : memref<13312xf32, #tpu.memory_space<hbm>> -> memref<512xf32, #tpu.memory_space<hbm>>
      tpu.wait_dma2 semaphore(%arg13 : memref<!tpu.dma_semaphore, #tpu.memory_space<semaphore_mem>>) src(%dma_wait3A_10 : memref<512xf32, #tpu.memory_space<hbm>>) dst(%arg8 : memref<512xf32, #tpu.memory_space<vmem>>)
      tpu.wait_dma2 semaphore(%arg13 : memref<!tpu.dma_semaphore, #tpu.memory_space<semaphore_mem>>) src(%arg4 : memref<32xf32, #tpu.memory_space<hbm>>) dst(%arg9 : memref<32xf32, #tpu.memory_space<vmem>>)
      %broadcast_in_dim3A = arith.constant 0 : i32
      %broadcast_in_dim3A_11 = vector.broadcast %broadcast_in_dim3A : i32 to vector<16xi32>
      %add3A_12 = vector.broadcast %add3A : i32 to vector<16xi32>
      %add3A_13 = arith.addi %add3A_12, %broadcast_in_dim3A_11 : vector<16xi32>
      %gather3A = tpu.vector_load_idx %arg9[%add3A_13] : memref<32xf32, #tpu.memory_space<vmem>>[vector<16xi32>], vector<16xf32>,
      %broadcast_in_dim3A_14 = arith.constant 0.000000e+00 : f32
      %broadcast_in_dim3A_15 = vector.broadcast %broadcast_in_dim3A_14 : f32 to vector<16xf32>
      %scan3A = arith.constant 0 : i32
      %scan3A_16 = arith.constant 32 : i32
      %scan3A_17 = arith.addi %scan3A, %scan3A_16 : i32
      %scan3A_18 = arith.constant 1 : i32
      %scan3A_19 = scf.for %scan3A_25 = %scan3A to %scan3A_17 step %scan3A_18 iter_args(%scan3A_26 = %broadcast_in_dim3A_15) -> (vector<16xf32>)  : i32 {
        %mul3A_27 = arith.constant 16 : i32
        %mul3A_28 = arith.muli %scan3A_25, %mul3A_27 : i32
        %get3A = arith.index_cast %mul3A_28 : i32 to index
        %get3A_29 = tpu.vector_load %arg8[%get3A] {strides = array<i32>} : memref<512xf32, #tpu.memory_space<vmem>>, vector<16xf32>,
        %max3A = arith.constant 0.000000e+00 : f32
        %max3A_30 = vector.broadcast %max3A : f32 to vector<16xf32>
        %max3A_31 = arith.maximumf %get3A_29, %max3A_30 : vector<16xf32>
        %broadcast_in_dim3A_32 = arith.constant true
        %broadcast_in_dim3A_33 = vector.broadcast %broadcast_in_dim3A_32 : i1 to vector<16xi1>
        %masked_cumsum3A = tpu.scan <sum>, %max3A_31 masked %broadcast_in_dim3A_33 : vector<16xf32>, vector<16xi1> -> vector<16xf32>
        %sub3A = arith.subf %masked_cumsum3A, %max3A_31 : vector<16xf32>
        %add3A_34 = arith.addf %sub3A, %scan3A_26 : vector<16xf32>
        %mul3A_35 = arith.constant 5.000000e-02 : f32
        %mul3A_36 = vector.broadcast %mul3A_35 : f32 to vector<16xf32>
        %mul3A_37 = arith.mulf %add3A_34, %mul3A_36 : vector<16xf32>
        %add3A_38 = arith.constant -1.705000e+01 : f32
        %add3A_39 = vector.broadcast %add3A_38 : f32 to vector<16xf32>
        %add3A_40 = arith.addf %mul3A_37, %add3A_39 : vector<16xf32>
        %add3A_41 = arith.addf %add3A_40, %gather3A : vector<16xf32>
        %mul3A_42 = arith.constant 16 : i32
        %mul3A_43 = arith.muli %scan3A_25, %mul3A_42 : i32
        %swap3A = arith.index_cast %mul3A_43 : i32 to index
        %swap3A_44 = tpu.vector_load %arg10[%swap3A] {strides = array<i32>} : memref<512xf32, #tpu.memory_space<vmem>>, vector<16xf32>,
        tpu.vector_store %arg10[%swap3A], %add3A_41 {strides = array<i32>} : memref<512xf32, #tpu.memory_space<vmem>>, vector<16xf32>,
        %mul3A_45 = arith.constant 16 : i32
        %mul3A_46 = arith.muli %scan3A_25, %mul3A_45 : i32
        %swap3A_47 = arith.index_cast %mul3A_46 : i32 to index
        %swap3A_48 = tpu.vector_load %arg11[%swap3A_47] {strides = array<i32>} : memref<512xf32, #tpu.memory_space<vmem>>, vector<16xf32>,
        tpu.vector_store %arg11[%swap3A_47], %max3A_31 {strides = array<i32>} : memref<512xf32, #tpu.memory_space<vmem>>, vector<16xf32>,
        %reduce_sum3A = arith.constant true
        %reduce_sum3A_49 = vector.broadcast %reduce_sum3A : i1 to vector<16xi1>
        %reduce_sum3A_50 = tpu.scan <sum>, %max3A_31 masked %reduce_sum3A_49 : vector<16xf32>, vector<16xi1> -> vector<16xf32>
        %reduce_sum3A_51 = vector.extract %reduce_sum3A_50[15] : f32 from vector<16xf32>
        %add3A_52 = vector.broadcast %reduce_sum3A_51 : f32 to vector<16xf32>
        %add3A_53 = arith.addf %scan3A_26, %add3A_52 : vector<16xf32>
        scf.yield %add3A_53 : vector<16xf32>
      }
      %scan3A_20 = arith.constant 32 : i32
      %dma_wait3A_21 = tpu.memref_slice %arg2[%mul3A_4] : memref<106496xf32, #tpu.memory_space<hbm>> -> memref<4096xf32, #tpu.memory_space<hbm>>
      %dma_wait3A_22 = tpu.memref_slice %arg2[%mul3A_4] : memref<106496xf32, #tpu.memory_space<hbm>> -> memref<4096xf32, #tpu.memory_space<hbm>>
      tpu.wait_dma2 semaphore(%arg12 : memref<!tpu.dma_semaphore, #tpu.memory_space<semaphore_mem>>) src(%dma_wait3A_22 : memref<4096xf32, #tpu.memory_space<hbm>>) dst(%arg6 : memref<4096xf32, #tpu.memory_space<vmem>>)
      %parallel_loop3A = arith.constant 0 : i32
      %parallel_loop3A_23 = arith.constant 4096 : i32
      %parallel_loop3A_24 = arith.constant 16 : i32
      scf.for %parallel_loop3A_25 = %parallel_loop3A to %parallel_loop3A_23 step %parallel_loop3A_24  : i32 {
        %parallel_loop3A_26 = arith.index_cast %parallel_loop3A_25 : i32 to index
        %parallel_loop3A_27 = tpu.vector_load %arg6[%parallel_loop3A_26] {strides = array<i32>} : memref<4096xf32, #tpu.memory_space<vmem>>, vector<16xf32>,
        %parallel_loop3A_28 = arith.constant -1.700000e+01 : f32
        %parallel_loop3A_29 = arith.constant 8.000000e+00 : f32
        %parallel_loop3A_30 = vector.broadcast %parallel_loop3A_28 : f32 to vector<16xf32>
        %parallel_loop3A_31 = arith.maximumf %parallel_loop3A_30, %parallel_loop3A_27 : vector<16xf32>
        %parallel_loop3A_32 = vector.broadcast %parallel_loop3A_29 : f32 to vector<16xf32>
        %parallel_loop3A_33 = arith.minimumf %parallel_loop3A_32, %parallel_loop3A_31 : vector<16xf32>
        %parallel_loop3A_34 = arith.constant -1.700000e+01 : f32
        %parallel_loop3A_35 = vector.broadcast %parallel_loop3A_34 : f32 to vector<16xf32>
        %parallel_loop3A_36 = arith.subf %parallel_loop3A_33, %parallel_loop3A_35 : vector<16xf32>
        %parallel_loop3A_37 = arith.constant 5.000000e-02 : f32
        %parallel_loop3A_38 = vector.broadcast %parallel_loop3A_37 : f32 to vector<16xf32>
        %parallel_loop3A_39 = arith.addf %parallel_loop3A_36, %parallel_loop3A_38 : vector<16xf32>
        %parallel_loop3A_40 = arith.constant 2.000000e+01 : f32
        %parallel_loop3A_41 = vector.broadcast %parallel_loop3A_40 : f32 to vector<16xf32>
        %parallel_loop3A_42 = arith.mulf %parallel_loop3A_39, %parallel_loop3A_41 : vector<16xf32>
        %parallel_loop3A_43 = arith.fptosi %parallel_loop3A_42 : vector<16xf32> to vector<16xi32>
        %parallel_loop3A_44 = arith.constant 0 : i32
        %parallel_loop3A_45 = arith.constant 500 : i32
        %parallel_loop3A_46 = vector.broadcast %parallel_loop3A_44 : i32 to vector<16xi32>
        %parallel_loop3A_47 = arith.maxsi %parallel_loop3A_46, %parallel_loop3A_43 : vector<16xi32>
        %parallel_loop3A_48 = vector.broadcast %parallel_loop3A_45 : i32 to vector<16xi32>
        %parallel_loop3A_49 = arith.minsi %parallel_loop3A_48, %parallel_loop3A_47 : vector<16xi32>
        %parallel_loop3A_50 = arith.constant -1.700000e+01 : f32
        %parallel_loop3A_51 = vector.broadcast %parallel_loop3A_50 : f32 to vector<16xf32>
        %parallel_loop3A_52 = arith.subf %parallel_loop3A_33, %parallel_loop3A_51 : vector<16xf32>
        %parallel_loop3A_53 = arith.constant 5.000000e-02 : f32
        %parallel_loop3A_54 = vector.broadcast %parallel_loop3A_53 : f32 to vector<16xf32>
        %parallel_loop3A_55 = arith.addf %parallel_loop3A_52, %parallel_loop3A_54 : vector<16xf32>
        %parallel_loop3A_56 = arith.sitofp %parallel_loop3A_49 : vector<16xi32> to vector<16xf32>
        %parallel_loop3A_57 = arith.constant 5.000000e-02 : f32
        %parallel_loop3A_58 = vector.broadcast %parallel_loop3A_57 : f32 to vector<16xf32>
        %parallel_loop3A_59 = arith.mulf %parallel_loop3A_56, %parallel_loop3A_58 : vector<16xf32>
        %parallel_loop3A_60 = arith.subf %parallel_loop3A_55, %parallel_loop3A_59 : vector<16xf32>
        %parallel_loop3A_61 = tpu.vector_load_idx %arg10[%parallel_loop3A_49] : memref<512xf32, #tpu.memory_space<vmem>>[vector<16xi32>], vector<16xf32>,
        %parallel_loop3A_62 = tpu.vector_load_idx %arg11[%parallel_loop3A_49] : memref<512xf32, #tpu.memory_space<vmem>>[vector<16xi32>], vector<16xf32>,
        %parallel_loop3A_63 = arith.mulf %parallel_loop3A_60, %parallel_loop3A_62 : vector<16xf32>
        %parallel_loop3A_64 = arith.addf %parallel_loop3A_61, %parallel_loop3A_63 : vector<16xf32>
        %parallel_loop3A_65 = arith.constant 0.000000e+00 : f32
        %parallel_loop3A_66 = vector.broadcast %parallel_loop3A_65 : f32 to vector<16xf32>
        %parallel_loop3A_67 = arith.subf %parallel_loop3A_66, %parallel_loop3A_64 : vector<16xf32>
        %parallel_loop3A_68 = math.exp %parallel_loop3A_67 : vector<16xf32>
        %parallel_loop3A_69 = arith.constant 1.000000e+00 : f32
        %parallel_loop3A_70 = vector.broadcast %parallel_loop3A_69 : f32 to vector<16xf32>
        %parallel_loop3A_71 = arith.addf %parallel_loop3A_70, %parallel_loop3A_68 : vector<16xf32>
        %parallel_loop3A_72 = arith.constant 1.000000e+00 : f32
        %parallel_loop3A_73 = vector.broadcast %parallel_loop3A_72 : f32 to vector<16xf32>
        %parallel_loop3A_74 = arith.divf %parallel_loop3A_73, %parallel_loop3A_71 : vector<16xf32>
        %parallel_loop3A_75 = arith.index_cast %parallel_loop3A_25 : i32 to index
        %parallel_loop3A_76 = tpu.vector_load %arg7[%parallel_loop3A_75] {strides = array<i32>} : memref<4096xf32, #tpu.memory_space<vmem>>, vector<16xf32>,
        tpu.vector_store %arg7[%parallel_loop3A_75], %parallel_loop3A_74 {strides = array<i32>} : memref<4096xf32, #tpu.memory_space<vmem>>, vector<16xf32>,
      } {sc.loop_unroll_factor = 4 : i64, sc.parallel_access}
      "tpu.region"() ({
        %run_scoped3A = tpu.sem_alloc : memref<!tpu.dma_semaphore, #tpu.memory_space<semaphore_mem>>
        %dma_start3A_25 = tpu.memref_slice %arg5[%mul3A_4] : memref<106496xf32, #tpu.memory_space<hbm>> -> memref<4096xf32, #tpu.memory_space<hbm>>
        %dma_start3A_26 = tpu.memref_slice %arg5[%mul3A_4] : memref<106496xf32, #tpu.memory_space<hbm>> -> memref<4096xf32, #tpu.memory_space<hbm>>
        tpu.enqueue_dma source(%arg7 : memref<4096xf32, #tpu.memory_space<vmem>>) target(%dma_start3A_26 : memref<4096xf32, #tpu.memory_space<hbm>>) target_semaphore(%run_scoped3A : memref<!tpu.dma_semaphore, #tpu.memory_space<semaphore_mem>>)
        %dma_wait3A_27 = tpu.memref_slice %arg5[%mul3A_4] : memref<106496xf32, #tpu.memory_space<hbm>> -> memref<4096xf32, #tpu.memory_space<hbm>>
        %dma_wait3A_28 = tpu.memref_slice %arg5[%mul3A_4] : memref<106496xf32, #tpu.memory_space<hbm>> -> memref<4096xf32, #tpu.memory_space<hbm>>
        tpu.wait_dma2 semaphore(%run_scoped3A : memref<!tpu.dma_semaphore, #tpu.memory_space<semaphore_mem>>) src(%arg7 : memref<4096xf32, #tpu.memory_space<vmem>>) dst(%dma_wait3A_28 : memref<4096xf32, #tpu.memory_space<hbm>>)
        tpu.yield
      }) : () -> ()
    } else {
    }
    return
  }
}

</mosaic_0001>

<sc_bundles>
// kernel: kernel.3.cloned.1.call-start
scs
__scs_entry_jumppad:
0x0: {  	(pc) =	sbr.rel $0x88, $3  }
0x1: {  	(tag) =	ssettag $0x0;
	lr =	simm.s32 $0x1  }
0x2: {  	[smem:$0x3F9E] =	sst lr;
	_ =	strace $0xD0000000  }
0x3: {  	_ = 	snop  }
0x4: {  	_ = 	snop  }
0x5: {  	_ = 	snop  }
0x6: {  	_ = 	snop  }
0x7: {  	_ = 	snop  }
__scs_overlays_trampoline_lowered:
0x8: {  	[smem:$0x3FAD] =	sst s0  }
0x9: {  	[smem:$0x3FAE] =	sst s1  }
0xa: {  	[smem:$0x3FAF] =	sst s2  }
0xb: {  	[smem:$0x3FB0] =	sst s3  }
0xc: {  	[smem:$0x3FB1] =	sst s4  }
0xd: {  	[smem:$0x3FB2] =	sst s5  }
0xe: {  	[smem:$0x3FB3] =	sst s6  }
0xf: {  	[smem:$0x3FB4] =	sst s7  }
0x10: {  	[smem:$0x3FB5] =	sst s8  }
0x11: {  	[smem:$0x3FB6] =	sst s9;
	s0 =	simm.s32 @!p0 $0x0  }
0x12: {  	s1 =	sld [smem:$0x3F9C];
	s0 =	simm.s32 @p0 $0x1  }
0x13: {  	[smem:$0x3FB7] =	sst s0;
	s0 =	simm.s32 @!p1 $0x0  }
0x14: {  	s2 =	sld [smem:$0x3F9B];
	s0 =	simm.s32 @p1 $0x1  }
0x15: {  	[smem:$0x3FB8] =	sst s0;
	s0 =	simm.s32 @!p2 $0x0  }
0x16: {  	s3 =	sld [smem:$0x3FDB];
	s0 =	simm.s32 @p2 $0x1  }
0x17: {  	s4 =	simm.s32 $0x1BF5;
	[smem:$0x3FBA] =	sst s0  }
0x18: {  	s0 =	sld [smem:$0x3F9D];
	_ =	swait.ge [sflag:s4], $0x0  }
0x19: {  	s7 =	sld [smem:$0x3F9E]  }
0x1a: {  	s8 =	sadd.s32 $0xFFFFE003, lr  }
0x1b: {  	s9 =	sadd.s32 $0xFFFFFEF7, lr;
	s5 =	simm.s32 $0xFFFFFFFF;
	p2 =	slt.u32 s8, $0xFFFFF086  }
0x1c: {  	p1 =	slt.u32 s9, $0xF7A;
	s5 =	simm.s32 @!p2 $0x0  }
0x1d: {  	s5 =	simm.s32 @p1 $0x1;
	p0 =	seq.s32 s7, s2  }
0x1e: {  	s7 =	smul.u32 @!p0 $0xF7A, s2;
	p2 =	seq.s32 @!p0 s5, $0x0  }
0x1f: {  	s9 =	smul.u32 $0xF7A, s1;
	s8 =	simm.s32 @!p0 $0x1BF5;
	p2 =	por !p2, p0  }
0x20: {  	[sflag:s8] =	ssyncset.s32 @!p0 $0xFFFFF086;
	s6 =	sadd.s32 @!p0 s3, s7;
	s7 =	simm.s32 @!p0 $0x108  }
0x21: {  	s3 =	sadd.s32 s3, s9;
	s6 =	sadd.s32 @!p0 $0x88, s6;
	s7 =	simm.s32 @p2 $0x1082  }
0x22: {  	[simem:s7], [sflag:s8] =	dma.local @!p0 [hbm:s6], $0xF7A  }
0x23: {  	s9 =	sor.u32 $0xD0000000, s2;
	s6 =	simm.s32 $0x108;
	_ =	swait.ge @!p0 [sflag:s8], $0x0  }
0x24: {  	s3 =	sadd.s32 $0x88, s3;
	s6 =	simm.s32 @!p1 $0x1082;
	[sflag:s4] =	ssyncset.s32 $0xFFFFF086  }
0x25: {  	[simem:s6], [sflag:s4] =	dma.local [hbm:s3], $0xF7A  }
0x26: {  	[smem:$0x3F9E] =	sst s1;
	(tag) =	ssettag s2;
	_ =	strace s9  }
0x27: {  	s1 =	sld [smem:$0x3FAE]  }
0x28: {  	s2 =	sld [smem:$0x3FAF]  }
0x29: {  	s4 =	sld [smem:$0x3FB1]  }
0x2a: {  	p0 =	seq.s32 s5, $0x0;
	s5 =	sld [smem:$0x3FB2]  }
0x2b: {  	s6 =	sld [smem:$0x3FB3]  }
0x2c: {  	s7 =	sld [smem:$0x3FB4]  }
0x2d: {  	s3 =	simm.s32 $0x108;
	s8 =	sld [smem:$0x3FB5]  }
0x2e: {  	s3 =	simm.s32 @!p0 $0x1082;
	s9 =	sld [smem:$0x3FB6]  }
0x2f: {  	lr =	sadd.s32 s0, s3;
	s0 =	sld [smem:$0x3FAD]  }
0x30: {  	s3 =	sld [smem:$0x3FB0]  }
0x31: {  	[smem:$0x3FB9] =	sst s10  }
0x32: {  	s10 =	sld [smem:$0x3FB7];
	_ =	sdelay $0x3  }
0x33: {  	p0 =	seq.s32 s10, $0x1;
	s10 =	sld [smem:$0x3FB9];
	_ =	sdelay $0x3  }
0x34: {  	[smem:$0x3FB9] =	sst s10  }
0x35: {  	s10 =	sld [smem:$0x3FB8];
	_ =	sdelay $0x3  }
0x36: {  	p1 =	seq.s32 s10, $0x1;
	s10 =	sld [smem:$0x3FB9];
	_ =	sdelay $0x3  }
0x37: {  	[smem:$0x3FB9] =	sst s10  }
0x38: {  	s10 =	sld [smem:$0x3FBA]  }
0x39: {  	_ = 	snop;
	(pc) =	sbr.ind lr, $3  }
0x3a: {  	_ = 	snop  }
0x3b: {  	_ = 	snop  }
0x3c: {  	p2 =	seq.s32 s10, $0x1;
	s10 =	sld [smem:$0x3FB9]  }
0x3d: {  	_ =	shalt  }
0x3e: {  	_ =	shalt  }
0x3f: {  	_ =	shalt  }
0x40: {  	_ =	shalt  }
0x41: {  	_ =	shalt  }
0x42: {  	_ =	shalt  }
0x43: {  	_ =	shalt  }
0x44: {  	_ =	shalt  }
0x45: {  	_ =	shalt  }
0x46: {  	_ =	shalt  }
0x47: {  	_ =	shalt  }
0x48: {  	_ =	shalt  }
0x49: {  	_ =	shalt  }
0x4a: {  	_ =	shalt  }
0x4b: {  	_ =	shalt  }
0x4c: {  	_ =	shalt  }
0x4d: {  	_ =	shalt  }
0x4e: {  	_ =	shalt  }
0x4f: {  	_ =	shalt  }
0x50: {  	_ =	shalt  }
0x51: {  	_ =	shalt  }
0x52: {  	_ =	shalt  }
0x53: {  	_ =	shalt  }
0x54: {  	_ =	shalt  }
0x55: {  	_ =	shalt  }
0x56: {  	_ =	shalt  }
0x57: {  	_ =	shalt  }
0x58: {  	_ =	shalt  }
0x59: {  	_ =	shalt  }
0x5a: {  	_ =	shalt  }
0x5b: {  	_ =	shalt  }
0x5c: {  	_ =	shalt  }
0x5d: {  	_ =	shalt  }
0x5e: {  	_ =	shalt  }
0x5f: {  	_ =	shalt  }
0x60: {  	_ =	shalt  }
0x61: {  	_ =	shalt  }
0x62: {  	_ =	shalt  }
0x63: {  	_ =	shalt  }
0x64: {  	_ =	shalt  }
0x65: {  	_ =	shalt  }
0x66: {  	_ =	shalt  }
0x67: {  	_ =	shalt  }
0x68: {  	_ =	shalt  }
0x69: {  	_ =	shalt  }
0x6a: {  	_ =	shalt  }
0x6b: {  	_ =	shalt  }
0x6c: {  	_ =	shalt  }
0x6d: {  	_ =	shalt  }
0x6e: {  	_ =	shalt  }
0x6f: {  	_ =	shalt  }
0x70: {  	_ =	shalt  }
0x71: {  	_ =	shalt  }
0x72: {  	_ =	shalt  }
0x73: {  	_ =	shalt  }
0x74: {  	_ =	shalt  }
0x75: {  	_ =	shalt  }
0x76: {  	_ =	shalt  }
0x77: {  	_ =	shalt  }
0x78: {  	_ =	shalt  }
0x79: {  	_ =	shalt  }
0x7a: {  	_ =	shalt  }
0x7b: {  	_ =	shalt  }
0x7c: {  	_ =	shalt  }
0x7d: {  	_ =	shalt  }
0x7e: {  	_ =	shalt  }
0x7f: {  	_ =	shalt  }
0x80: {  	_ =	shalt  }
0x81: {  	_ =	shalt  }
0x82: {  	_ =	shalt  }
0x83: {  	_ =	shalt  }
0x84: {  	_ =	shalt  }
0x85: {  	_ =	shalt  }
0x86: {  	_ =	shalt  }
0x87: {  	_ =	shalt  }
.Lfunc_end0:
.L_simem_size_0:
called_computation_lowered:
.L_overlay_start_0:
0x88: {  	s2 =	sld [smem:$0x3FD9]  }
0x89: {  	s3 =	sld [smem:$0x3FFE];
	_ =	sdelay $0x1  }
0x8a: {  	s1 =	srdreg.scid  }
0x8b: {  	s0 =	sand.u32 $0x1, s1  }
0x8c: {  	s17 =	sshll.u32 s0, $0xA;
	s2 =	sadd.s32 s3, s2  }
0x8d: {  	s2 =	sadd.s32 s2, s17  }
0x8e: {  	[smem:$0x3FC5] =	sst s2  }
0x8f: {  	_ = 	snop  }
0x90: {  	s2 =	sld [smem:$0x3FD0];
	(tm) =	ssettm $0x1  }
0x91: {  	s18 =	sld [smem:$0x3FFB];
	_ =	sdelay $0x3  }
0x92: {  	_ =	strace s18  }
0x93: {  	s3 =	sld [smem:$0x3FFC];
	_ =	sdelay $0x3  }
0x94: {  	_ =	strace s3  }
0x95: {  	s3 =	sld [smem:$0x3FFD];
	_ =	sdelay $0x3  }
0x96: {  	_ =	strace s3  }
0x97: {  	_ =	strace $0x8FFFFFFF  }
0x98: {  	s19 =	sld [smem:$0x3FDB];
	_ =	sdelay $0x1  }
0x99: {  	s4 =	simm.s32 $_scs_section_size  }
0x9a: {  	s5 =	simm.s32 $_size__tile_overlayer_lowered;
	s6 =	simm.s32 $_tile_overlayer_lowered  }
0x9b: {  	s22 =	simm.s32 $0x1BFF;
	s21 =	sshll.u32 s6, $0x1;
	s3 =	sadd.s32 s4, s19  }
0x9c: {  	s7 =	simm.s32 $0x0;
	s20 =	sshll.u32 s5, $0x1;
	s5 =	sadd.s32 s21, s3  }
0x9d: {  	[timem:s7], [sflag:s22] =	dma.local [hbm:s5], s20  }
0x9e: {  	_ =	swait.ge [sflag:s22], s20  }
0x9f: {  	s4 =	ssub.s32 $0x0, s20;
	[sflag:s22] =	ssyncset.done $0x0  }
0xa0: {  	[sflag:s22] =	ssyncadd.s32 s4;
	_ =	sdelay $0x1  }
0xa1: {  	s23 =	simm.s32 $0x1B8B  }
0xa2: {  	_ =	swait.ge [sflag:s23], $0x1  }
0xa3: {  	[sflag:s23] =	ssyncset.done $0x0  }
0xa4: {  	s25 =	simm.s32 $0x1B8E;
	s24 =	sld [smem:$0x3FFE];
	[sflag:s23] =	ssyncadd.s32 $0xFFFFFFFF  }
0xa5: {  	s26 =	simm.s32 $execute0_lowered;
	[smem:$0x3FD2] =	sst s25  }
0xa6: {  	s5 =	sshll.u32 s26, $0x1;
	_ =	strace $0x80000046;
	[dreg:$0x1] =	wrdreg $0xFFFFFFFF  }
0xa7: {  	s28 =	simm.s32 $_size_execute0_lowered;
	s3 =	sadd.s32 s3, s5;
	[dreg:$0x0] =	wrdreg $0x0  }
0xa8: {  	s5 =	sshll.u32 s28, $0x1;
	[dreg:$0x2] =	wrdreg s3  }
0xa9: {  	[dreg:$0x3] =	wrdreg s5  }
0xaa: {  	[dreg:$0x4] =	wrdreg $0xC0  }
0xab: {  	_ =	task [dreg:s7], $0x5FFFF  }
0xac: {  	[dreg:$0x1] =	wrdreg $0xFFFFFFFF  }
0xad: {  	[dreg:$0x0] =	wrdreg $0x60  }
0xae: {  	[dreg:$0x2] =	wrdreg s2  }
0xaf: {  	[dreg:$0x3] =	wrdreg s24  }
0xb0: {  	[dreg:$0x4] =	wrdreg $0x9  }
0xb1: {  	_ =	task.clear_ibuf [dreg:s7], $0x5FFFF;
	_ =	strace $0x90000046  }
0xb2: {  	s29 =	simm.s32 $0x9;
	_ =	strace $0x80000048  }
0xb3: {  	_ =	swait.ge [sflag:s29], $0x1  }
0xb4: {  	[sflag:s29] =	ssyncadd.s32 $0xFFFFFFFF  }
0xb5: {  	_ =	strace $0x90000048  }
0xb6: {  	_ =	sfence  }
0xb7: {  	s30 =	sld [smem:$0x0];
	_ =	sdelay $0x2  }
0xb8: {  	s31 =	sshll.u32 s1, $0xD;
	s1 =	sshrl.u32 s1, $0x2  }
0xb9: {  	s3 =	sand.u32 $0x4000, s31;
	s1 =	sadd.s32 s1, s30  }
0xba: {  	s0 =	sor.u32 s3, s0;
	s1 =	sshll.u32 s1, $0x11  }
0xbb: {  	s0 =	sor.u32 s1, s0  }
0xbc: {  	s0 =	sadd.s32 $0x8F2B, s0  }
0xbd: {  	[sflag:s0] =	ssyncadd.remote.s32 $0x1  }
0xbe: {  	_ =	sfence.sel $0xFFFF  }
0xbf: {  	[dreg:$0x0] =	wrdreg $0xFFFFFFFF;
	(pc) =	sbr.abs _section_cstart, $3  }
0xc0: {  	[dreg:$0x1] =	wrdreg $0xFFFFFFFF  }
0xc1: {  	_ =	task.clear_ibuf [dreg:s7], $0x2FFFF;
	_ =	strace $0x9FFFFFFF  }
0xc2: {  	(tm) =	ssettm $0x7FFFFFFF  }
0xc3: {  	_ =	shalt  }
tec
execute0_lowered:
.L_overlay_start_1:
0x0: {  	(tag) =	ssettag $0x1  }
0x1: {  	s1 =	stileid.u32  }
0x2: {  	p0 =	sgt.u32 s1, $0xC  }
.Ltmp0:
0x3: {  	_ = 	snop;
	(pc) =	sbr.rel @p0 .LBB2_7-.Ltmp0, $4  }
0x4: {  	s6 =	rddreg [dreg:$0x0]  }
0x5: {  	s4 =	rddreg [dreg:$0x1];
	s2 =	simm.s32 $0x0  }
0x6: {  	[smem:$0x7FF] =	sst s2  }
0x7: {  	s0 =	rddreg [dreg:$0x2];
	_ =	strace $0x80000047  }
0x8: {  	s3 =	srdreg.scid  }
0x9: {  	s5 =	sshll.u32 s1, $0x1;
	s29 =	sadd.s32 $0x800, s4;
	s10 =	simm.s32 $0x2  }
0xa: {  	s11 =	simm.s32 $0x1;
	s12 =	simm.s32 $0x2280;
	s13 =	simm.s32 $0x2480  }
0xb: {  	s15 =	simm.s32 $0x3;
	s16 =	simm.s32 $0x0;
	s3 =	sand.u32 $0x1, s3  }
0xc: {  	s14 =	sor.u32 s3, s5;
	s8 =	ssub.s32 $0x2, s3;
	s3 =	sadd.s32 $0x600, s4  }
0xd: {  	s7 =	sshll.u32 s14, $0x9;
	s9 =	sshrl.u32 s8, $0x1;
	s31 =	sshll.u32 s14, $0x6  }
0xe: {  	v0 =	vmov s14;
	s14 =	simm.s32 $0x1000;
	s30 =	sadd.s32 s7, s4;
	s8 =	ssub.s32 s8, s9  }
0xf: {  	s5 =	sadd.s32 s29, s31;
	s6 =	sadd.s32 s6, s7;
	s9 =	simm.s32 $0x2200  }
0x10: {  	s4 =	sadd.s32 $0x1000, s30;
	s7 =	smax.u32 s8, $0x1;
	s8 =	simm.s32 $0x2000  }
.LBB2_2:
0x11: {  	s17 =	simm.s32 $0x0  }
0x12: {  	[tilespmem:s17], [sflag:$0x1] =	stream.linear.gather [hbm4b:s6+s17], $0x1000, $0x38;
	[tilespmem:$0x2680] =	vst v63  }
0x13: {  	_ = 	snop  }
0x14: {  	[tilespmem:s8], [sflag:$0x2] =	stream.linear.gather [hbm4b:s5+s17], $0x200, $0x38;
	[tilespmem:$0x2680] =	vst v63  }
0x15: {  	_ = 	snop  }
0x16: {  	[tilespmem:s9], [sflag:$0x2] =	stream.linear.gather [hbm4b:s3+s17], $0x80, $0x38;
	[tilespmem:$0x2680] =	vst v63  }
0x17: {  	_ =	swait.ge [sflag:s10], $0x200  }
0x18: {  	[sflag:s10] =	ssyncset.done $0x0  }
0x19: {  	[sflag:s10] =	ssyncadd.s32 $0xFFFFFE00  }
0x1a: {  	_ =	swait.ge [sflag:s10], $0x80  }
0x1b: {  	[sflag:s10] =	ssyncset.done $0x0  }
0x1c: {  	s17 =	simm.s32 $0x0;
	[sflag:s10] =	ssyncadd.s32 $0xFFFFFF80  }
0x1d: {  	v1 =	vld [tilespmem:s17+$0x2000];
	_ =	sdelay $0x4  }
0x1e: {  	v3 =	vmax.f32 v1, $0.0e+00  }
0x1f: {  	(xrf2) =	vadd.scan.msk.f32 $0xffff, v3  }
0x20: {  	s18 =	simm.s32 $0x10  }
0x21: {  	v1 =	vld [tilespmem:s18+$0x2000];
	_ =	sdelay $0x4  }
0x22: {  	s19 =	simm.s32 $0x20;
	v2 =	vmax.f32 v1, $0.0e+00;
	v1 =	vld.idx.msk [tilespmem:v0+s9+$0x0], $0xffff;
	[tilespmem:s17+$0x2480] =	vst v3  }
0x23: {  	(xrf2) =	vadd.scan.msk.f32 $0xffff, v2;
	v5 =	vld [tilespmem:s19+$0x2000];
	_ =	sdelay $0x1  }
0x24: {  	v8, _, _ =	vpop (xrf2)  }
0x25: {  	v3 =	vsub.f32 v8, v3  }
0x26: {  	v4 =	vimm.f32 $0.0e+00  }
0x27: {  	s20 =	simm.s32 $0x30;
	[tilespmem:s18+$0x2480] =	vst v2;
	v9 =	vadd.f32 v3, v4;
	v3 =	vmax.f32 v5, $0.0e+00  }
0x28: {  	v7 =	vld [tilespmem:s20+$0x2000];
	(xrf2) =	vadd.scan.msk.f32 $0xffff, v3;
	_ =	sdelay $0x3  }
0x29: {  	s21 =	simm.s32 $0x100;
	v8 =	vbroadcast v8, $0xF;
	[tilespmem:s19+$0x2480] =	vst v3;
	v6, _, _ =	vpop (xrf2);
	v5 =	vmul.f32 $5.000000070e-02, v9  }
.LBB2_3:
0x2a: {  	v9 =	vsub.f32 v6, v2;
	v2 =	vmov v3;
	v3 =	vmax.f32 v7, $0.0e+00;
	s22 =	smov.u32 s20;
	s20 =	sshra.s32 s21, $0x2;
	p0 =	sne.s32 s21, $0x7C0  }
.Ltmp1:
0x2b: {  	s21 =	sadd.s32 $0x40, s21;
	v7 =	vld [tilespmem:s20+$0x2000];
	[tilespmem:s22+$0x2480] =	vst v3;
	(xrf2) =	vadd.scan.msk.f32 $0xffff, v3;
	v5 =	vadd.f32 $-1.704999920e+01, v5;
	v4 =	vadd.f32 v8, v4;
	(pc) =	sbr.rel @p0 .LBB2_3-.Ltmp1, $3  }
0x2c: {  	_ = 	snop  }
0x2d: {  	v8 =	vadd.f32 v9, v4;
	v9 =	vadd.f32 v5, v1;
	_ =	sdelay $0x1  }
0x2e: {  	v5 =	vmul.f32 $5.000000070e-02, v8;
	v8 =	vbroadcast v6, $0xF;
	v6, _, _ =	vpop (xrf2);
	[tilespmem:s17+$0x2280] =	vst v9;
	s17 =	smov.u32 s18;
	s18 =	smov.u32 s19;
	s19 =	smov.u32 s22  }
0x2f: {  	v7 =	vmax.f32 v7, $0.0e+00  }
0x30: {  	(xrf2) =	vadd.scan.msk.f32 $0xffff, v7;
	_ =	sdelay $0x5  }
0x31: {  	v4 =	vadd.f32 v8, v4  }
0x32: {  	v8 =	vbroadcast v6, $0xF  }
0x33: {  	v2 =	vsub.f32 v6, v2;
	v6, _, _ =	vpop (xrf2)  }
0x34: {  	v8 =	vadd.f32 v8, v4;
	v9 =	vbroadcast v6, $0xF  }
0x35: {  	v2 =	vadd.f32 v2, v4;
	v3 =	vsub.f32 v6, v3;
	v4, _, _ =	vpop (xrf2)  }
0x36: {  	v6 =	vadd.f32 v9, v8;
	v4 =	vsub.f32 v4, v7  }
0x37: {  	v3 =	vadd.f32 v3, v8  }
0x38: {  	v2 =	vmul.f32 $5.000000070e-02, v2;
	v4 =	vadd.f32 v4, v6  }
0x39: {  	v5 =	vadd.f32 $-1.704999920e+01, v5;
	v3 =	vmul.f32 $5.000000070e-02, v3  }
0x3a: {  	v2 =	vadd.f32 $-1.704999920e+01, v2;
	v4 =	vmul.f32 $5.000000070e-02, v4  }
0x3b: {  	v5 =	vadd.f32 v5, v1;
	v3 =	vadd.f32 $-1.704999920e+01, v3  }
0x3c: {  	[tilespmem:s20+$0x2480] =	vst v7;
	v2 =	vadd.f32 v2, v1;
	v4 =	vadd.f32 $-1.704999920e+01, v4  }
0x3d: {  	[tilespmem:s17+$0x2280] =	vst v5;
	v3 =	vadd.f32 v3, v1  }
0x3e: {  	[tilespmem:s18+$0x2280] =	vst v2;
	v1 =	vadd.f32 v4, v1  }
0x3f: {  	[tilespmem:s19+$0x2280] =	vst v3  }
0x40: {  	[tilespmem:s20+$0x2280] =	vst v1  }
0x41: {  	_ =	swait.ge [sflag:s11], $0x1000  }
0x42: {  	[sflag:s11] =	ssyncset.done $0x0  }
0x43: {  	s29 =	simm.s32 $0x20;
	[sflag:s11] =	ssyncadd.s32 $0xFFFFF000  }
0x44: {  	v1 =	vld [tilespmem:s29+$0xFFFFFFF0];
	_ =	sdelay $0x3  }
0x45: {  	v2 =	vld [tilespmem:s29+$0x0]  }
0x46: {  	v1 =	vmax.f32 v1, $-1.700000000e+01  }
0x47: {  	v1 =	vmin.f32 v1, $8.000000000e+00  }
0x48: {  	v1 =	vadd.f32 $1.700000000e+01, v1  }
0x49: {  	v3 =	vld [tilespmem:s29+$0x10]  }
0x4a: {  	v2 =	vmax.f32 v2, $-1.700000000e+01;
	v1 =	vadd.f32 $5.000000070e-02, v1  }
0x4b: {  	v2 =	vmin.f32 v2, $8.000000000e+00  }
0x4c: {  	v5 =	vld [tilespmem:s29+$0xFFFFFFE0];
	v2 =	vadd.f32 $1.700000000e+01, v2;
	v4 =	vmul.f32 $2.000000000e+01, v1;
	_ =	sdelay $0x1  }
0x4d: {  	v3 =	vmax.f32 v3, $-1.700000000e+01;
	v2 =	vadd.f32 $5.000000070e-02, v2;
	v4 =	vtrunc.f32 v4  }
0x4e: {  	v3 =	vmin.f32 v3, $8.000000000e+00;
	v4 =	vcvt.f32.s32 v4  }
0x4f: {  	v3 =	vadd.f32 $1.700000000e+01, v3;
	v6 =	vmul.f32 $2.000000000e+01, v2  }
0x50: {  	v5 =	vmax.f32 v5, $-1.700000000e+01;
	vm0 =	vgt.s32 v4, $0x0  }
0x51: {  	s30 =	simm.s32 $0x60;
	v3 =	vadd.f32 $5.000000070e-02, v3;
	v6 =	vtrunc.f32 v6;
	v4 =	vnsel vm0, $0x0, v4  }
0x52: {  	v9 =	vld [tilespmem:s30+$0xFFFFFFF0];
	v5 =	vmin.f32 v5, $8.000000000e+00;
	v6 =	vcvt.f32.s32 v6;
	v4 =	vmin.u32 v4, $0x1F4  }
0x53: {  	v5 =	vadd.f32 $1.700000000e+01, v5;
	v7 =	vmul.f32 $2.000000000e+01, v3  }
0x54: {  	vm7 =	vgt.s32 v6, $0x0;
	v8 =	vcvt.s32.f32 v4  }
0x55: {  	v5 =	vadd.f32 $5.000000070e-02, v5;
	v7 =	vtrunc.f32 v7;
	v6 =	vnsel vm7, $0x0, v6  }
0x56: {  	v13 =	vld [tilespmem:s30+$0x10];
	v7 =	vcvt.f32.s32 v7;
	v6 =	vmin.u32 v6, $0x1F4;
	v8 =	vmul.f32 $5.000000070e-02, v8  }
0x57: {  	v9 =	vmax.f32 v9, $-1.700000000e+01;
	v11 =	vmul.f32 $2.000000000e+01, v5;
	v12 =	vcvt.s32.f32 v6;
	v10 =	vld.idx.msk [tilespmem:v4+s13+$0x0], $0xffff  }
0x58: {  	v9 =	vmin.f32 v9, $8.000000000e+00;
	vm8 =	vgt.s32 v7, $0x0;
	v1 =	vsub.f32 v1, v8;
	v8 =	vld [tilespmem:s30+$0x0]  }
0x59: {  	v11 =	vtrunc.f32 v11;
	v7 =	vnsel vm8, $0x0, v7;
	v12 =	vmul.f32 $5.000000070e-02, v12  }
0x5a: {  	v9 =	vadd.f32 $1.700000000e+01, v9;
	v11 =	vcvt.f32.s32 v11;
	v7 =	vmin.u32 v7, $0x1F4;
	v4 =	vld.idx.msk [tilespmem:v4+s12+$0x0], $0xffff  }
0x5b: {  	v2 =	vsub.f32 v2, v12;
	v12 =	vmax.f32 v13, $-1.700000000e+01;
	v13 =	vld [tilespmem:s30+$0xFFFFFFE0]  }
0x5c: {  	v9 =	vadd.f32 $5.000000070e-02, v9;
	vm9 =	vgt.s32 v11, $0x0  }
0x5d: {  	v11 =	vnsel vm9, $0x0, v11;
	v1 =	vmul.f32 v1, v10;
	v10 =	vld.idx.msk [tilespmem:v6+s13+$0x0], $0xffff;
	v8 =	vmax.f32 v8, $-1.700000000e+01  }
0x5e: {  	v11 =	vmin.u32 v11, $0x1F4;
	v14 =	vcvt.s32.f32 v7;
	v8 =	vmin.f32 v8, $8.000000000e+00  }
0x5f: {  	v15 =	vld.idx.msk [tilespmem:v7+s13+$0x0], $0xffff;
	v12 =	vmin.f32 v12, $8.000000000e+00;
	v1 =	vadd.f32 v1, v4;
	v8 =	vadd.f32 $1.700000000e+01, v8  }
0x60: {  	v13 =	vmax.f32 v13, $-1.700000000e+01;
	v4 =	vmul.f32 $5.000000070e-02, v14;
	v14 =	vmul.f32 $2.000000000e+01, v9  }
0x61: {  	v6 =	vld.idx.msk [tilespmem:v6+s12+$0x0], $0xffff;
	v13 =	vmin.f32 v13, $8.000000000e+00;
	v1 =	vsub.f32 $0.0e+00, v1;
	v8 =	vadd.f32 $5.000000070e-02, v8  }
0x62: {  	v7 =	vld.idx.msk [tilespmem:v7+s12+$0x0], $0xffff;
	v14 =	vtrunc.f32 v14;
	v3 =	vsub.f32 v3, v4;
	v2 =	vmul.f32 v2, v10  }
0x63: {  	v10 =	vadd.f32 $1.700000000e+01, v12;
	v12 =	vcvt.s32.f32 v11;
	v1 =	vmul.f32 $1.442695020e+00, v1  }
0x64: {  	v13 =	vadd.f32 $1.700000000e+01, v13;
	v4 =	vmul.f32 $2.000000000e+01, v8;
	v3 =	vmul.f32 v3, v15  }
0x65: {  	v10 =	vadd.f32 $5.000000070e-02, v10;
	v12 =	vmul.f32 $5.000000070e-02, v12;
	(erf) = vpow2.f32 v1  }
0x66: {  	v2 =	vadd.f32 v2, v6;
	v1 =	vcvt.f32.s32 v14;
	v14 =	vld.idx.msk [tilespmem:v11+s13+$0x0], $0xffff;
	v4 =	vtrunc.f32 v4  }
0x67: {  	v3 =	vadd.f32 v3, v7;
	v16 =	vmul.f32 $2.000000000e+01, v10;
	v5 =	vsub.f32 v5, v12  }
0x68: {  	v11 =	vld.idx.msk [tilespmem:v11+s12+$0x0], $0xffff;
	v4 =	vcvt.f32.s32 v4;
	v2 =	vsub.f32 $0.0e+00, v2;
	vm10 =	vgt.s32 v1, $0x0  }
0x69: {  	v3 =	vsub.f32 $0.0e+00, v3;
	v1 =	vnsel vm10, $0x0, v1;
	v12 =	vtrunc.f32 v16  }
0x6a: {  	vm11 =	vgt.s32 v4, $0x0;
	v1 =	vmin.u32 v1, $0x1F4;
	v12 =	vcvt.f32.s32 v12  }
0x6b: {  	v4 =	vnsel vm11, $0x0, v4;
	v16 =	vcvt.s32.f32 v1;
	v5 =	vmul.f32 v5, v14  }
0x6c: {  	s31 =	simm.s32 $0xA0;
	v2 =	vmul.f32 $1.442695020e+00, v2;
	v3 =	vmul.f32 $1.442695020e+00, v3;
	v15 =	vmin.u32 v4, $0x1F4  }
0x6d: {  	v6 =	vld [tilespmem:s31+$0xFFFFFFF0];
	vm1 =	vgt.s32 v12, $0x0;
	v14 =	vmul.f32 $5.000000070e-02, v16;
	v5 =	vadd.f32 v5, v11  }
0x6e: {  	v7 =	vcvt.s32.f32 v15;
	v12 =	vnsel vm1, $0x0, v12;
	v11 =	vadd.f32 $5.000000070e-02, v13  }
0x6f: {  	v12 =	vmin.u32 v12, $0x1F4;
	v13 =	vpop (erf);
	v9 =	vsub.f32 v9, v14;
	v14 =	vld.idx.msk [tilespmem:v1+s13+$0x0], $0xffff;
	v5 =	vsub.f32 $0.0e+00, v5  }
0x70: {  	v16 =	vld [tilespmem:s31+$0x10];
	v7 =	vmul.f32 $5.000000070e-02, v7;
	v4 =	vadd.f32 $1.000000000e+00, v13;
	v13 =	vmul.f32 $2.000000000e+01, v11  }
0x71: {  	v17 =	vcvt.s32.f32 v12;
	v5 =	vmul.f32 $1.442695020e+00, v5  }
0x72: {  	v6 =	vmax.f32 v6, $-1.700000000e+01;
	v1 =	vld.idx.msk [tilespmem:v1+s12+$0x0], $0xffff;
	v13 =	vtrunc.f32 v13;
	(erf) = vrcp.f32 v4  }
0x73: {  	v6 =	vmin.f32 v6, $8.000000000e+00;
	v4 =	vld [tilespmem:s31+$0x0];
	v13 =	vcvt.f32.s32 v13;
	(erf) = vpow2.f32 v5  }
0x74: {  	v18 =	vld.idx.msk [tilespmem:v15+s13+$0x0], $0xffff;
	v5 =	vsub.f32 v8, v7;
	v7 =	vmul.f32 $5.000000070e-02, v17;
	v9 =	vmul.f32 v9, v14  }
0x75: {  	(erf) = vpow2.f32 v3;
	v3 =	vadd.f32 $1.700000000e+01, v6;
	v6 =	vmax.f32 v16, $-1.700000000e+01  }
0x76: {  	v14 =	vld.idx.msk [tilespmem:v12+s13+$0x0], $0xffff;
	vm12 =	vgt.s32 v13, $0x0;
	v6 =	vmin.f32 v6, $8.000000000e+00;
	(erf) = vpow2.f32 v2  }
0x77: {  	v7 =	vsub.f32 v10, v7;
	v13 =	vnsel vm12, $0x0, v13;
	v1 =	vadd.f32 v9, v1  }
0x78: {  	v3 =	vadd.f32 $5.000000070e-02, v3;
	v6 =	vadd.f32 $1.700000000e+01, v6;
	v4 =	vmax.f32 v4, $-1.700000000e+01  }
0x79: {  	v8 =	vmin.u32 v13, $0x1F4;
	v9 =	vmin.f32 v4, $8.000000000e+00;
	v4 =	vmul.f32 v5, v18  }
0x7a: {  	v5 =	vld [tilespmem:s31+$0xFFFFFFE0];
	v13 =	vcvt.s32.f32 v8;
	v17 =	vmul.f32 $2.000000000e+01, v3  }
0x7b: {  	v1 =	vsub.f32 $0.0e+00, v1;
	v9 =	vadd.f32 $1.700000000e+01, v9;
	v14 =	vmul.f32 v7, v14  }
0x7c: {  	v63 =	vld.idx.msk [tilespmem:v12+s12+$0x0], $0xffff;
	v13 =	vmul.f32 $5.000000070e-02, v13;
	v17 =	vtrunc.f32 v17;
	v16 =	vpop (erf)  }
0x7d: {  	v2 =	vadd.f32 $5.000000070e-02, v9;
	v9 =	vmul.f32 $1.442695020e+00, v1;
	v1 =	vadd.f32 $5.000000070e-02, v6;
	v6 =	vpop (erf)  }
0x7e: {  	v17 =	vcvt.f32.s32 v17;
	v11 =	vsub.f32 v11, v13;
	v6 =	vadd.f32 $1.000000000e+00, v6  }
0x7f: {  	v10 =	vmul.f32 $2.000000000e+01, v2;
	(erf) = vpow2.f32 v9;
	v5 =	vmax.f32 v5, $-1.700000000e+01  }
0x80: {  	v9 =	vld.idx.msk [tilespmem:v8+s13+$0x0], $0xffff;
	v13 =	vmul.f32 $2.000000000e+01, v1;
	vm13 =	vgt.s32 v17, $0x0;
	(erf) = vrcp.f32 v6  }
0x81: {  	v14 =	vadd.f32 v14, v63;
	v5 =	vmin.f32 v5, $8.000000000e+00;
	v7 =	vnsel vm13, $0x0, v17  }
0x82: {  	v10 =	vtrunc.f32 v10;
	v6 =	vld.idx.msk [tilespmem:v8+s12+$0x0], $0xffff;
	v8 =	vpop (erf);
	v13 =	vtrunc.f32 v13;
	v5 =	vadd.f32 $1.700000000e+01, v5  }
0x83: {  	v17 =	vmin.u32 v7, $0x1F4;
	v10 =	vcvt.f32.s32 v10;
	v8 =	vadd.f32 $1.000000000e+00, v8  }
0x84: {  	v7 =	vcvt.f32.s32 v13;
	v12 =	vcvt.s32.f32 v17;
	v5 =	vadd.f32 $5.000000070e-02, v5  }
0x85: {  	v9 =	vmul.f32 v11, v9;
	v11 =	vpop (erf);
	vm14 =	vgt.s32 v10, $0x0;
	(erf) = vrcp.f32 v8;
	v8 =	vld.idx.msk [tilespmem:v15+s12+$0x0], $0xffff  }
0x86: {  	vm15 =	vgt.s32 v7, $0x0;
	v19 =	vadd.f32 $1.000000000e+00, v11;
	v11 =	vmul.f32 $5.000000070e-02, v12  }
0x87: {  	v7 =	vnsel vm15, $0x0, v7;
	v15 =	vmul.f32 $2.000000000e+01, v5;
	v12 =	vadd.f32 v9, v6  }
0x88: {  	s17 =	simm.s32 $0x1020;
	v9 =	vnsel vm14, $0x0, v10;
	v7 =	vmin.u32 v7, $0x1F4;
	v10 =	vsub.f32 v3, v11;
	v11 =	vld.idx.msk [tilespmem:v17+s13+$0x0], $0xffff;
	v6 =	vpop (erf)  }
0x89: {  	s18 =	simm.s32 $0x1020;
	s19 =	simm.s32 $0x80;
	s20 =	simm.s32 $0xE0;
	[tilespmem:s17+$0xFFFFFFF0] =	vst v16;
	v3 =	vmin.u32 v9, $0x1F4;
	v9 =	vld.idx.msk [tilespmem:v17+s12+$0x0], $0xffff;
	v13 =	vadd.f32 $1.000000000e+00, v6;
	v6 =	vpop (erf);
	(erf) = vrcp.f32 v19  }
.LBB2_5:
0x8a: {  	v16 =	vld [tilespmem:s20+$0xFFFFFFF0];
	s19 =	sadd.s32 $0x40, s19;
	v17 =	vcvt.s32.f32 v3;
	v12 =	vsub.f32 $0.0e+00, v12;
	v4 =	vadd.f32 v4, v8;
	s17 =	sadd.s32 $0x40, s17  }
0x8b: {  	v8 =	vld [tilespmem:s20+$0x10];
	p0 =	slt.u32 s19, $0xFC0;
	v15 =	vtrunc.f32 v15;
	(erf) = vrcp.f32 v13  }
0x8c: {  	v13 =	vld [tilespmem:s20+$0x0];
	v15 =	vcvt.f32.s32 v15;
	v17 =	vmul.f32 $5.000000070e-02, v17;
	v21 =	vsub.f32 $0.0e+00, v4  }
0x8d: {  	v19 =	vcvt.s32.f32 v7;
	v14 =	vsub.f32 $0.0e+00, v14;
	v12 =	vmul.f32 $1.442695020e+00, v12;
	v18 =	vld.idx.msk [tilespmem:v3+s13+$0x0], $0xffff  }
0x8e: {  	v10 =	vmul.f32 v10, v11;
	v20 =	vld [tilespmem:s20+$0xFFFFFFE0];
	vm0 =	vgt.s32 v15, $0x0;
	v11 =	vmul.f32 $1.442695020e+00, v21;
	v4 =	vpop (erf)  }
0x8f: {  	v14 =	vmul.f32 $1.442695020e+00, v14;
	v15 =	vnsel vm0, $0x0, v15;
	(erf) = vpow2.f32 v12;
	[tilespmem:s18+$0x10] =	vst v4  }
0x90: {  	v2 =	vsub.f32 v2, v17;
	v9 =	vadd.f32 v10, v9;
	v10 =	vmul.f32 $5.000000070e-02, v19;
	v12 =	vld.idx.msk [tilespmem:v7+s13+$0x0], $0xffff  }
0x91: {  	v4 =	vmax.f32 v16, $-1.700000000e+01;
	v15 =	vmin.u32 v15, $0x1F4;
	v13 =	vmax.f32 v13, $-1.700000000e+01  }
0x92: {  	v4 =	vmin.f32 v4, $8.000000000e+00;
	v13 =	vmin.f32 v13, $8.000000000e+00;
	v16 =	vld.idx.msk [tilespmem:v7+s12+$0x0], $0xffff;
	(erf) = vpow2.f32 v14;
	[tilespmem:s18+$0xFFFFFFE0] =	vst v6;
	v6 =	vpop (erf)  }
0x93: {  	v8 =	vmax.f32 v8, $-1.700000000e+01;
	v7 =	vadd.f32 $1.700000000e+01, v4;
	v4 =	vmul.f32 v2, v18;
	[tilespmem:s18+$0x0] =	vst v6;
	s18 =	smov.u32 s17  }
0x94: {  	v2 =	vadd.f32 $1.700000000e+01, v13;
	v6 =	vmin.f32 v8, $8.000000000e+00;
	v8 =	vsub.f32 $0.0e+00, v9;
	v9 =	vpop (erf)  }
0x95: {  	v13 =	vadd.f32 $5.000000070e-02, v7;
	v7 =	vcvt.s32.f32 v15;
	[tilespmem:s17+$0xFFFFFFF0] =	vst v9;
	(erf) = vpow2.f32 v11  }
0x96: {  	v6 =	vadd.f32 $1.700000000e+01, v6;
	v2 =	vadd.f32 $5.000000070e-02, v2;
	v14 =	vmul.f32 $1.442695020e+00, v8  }
0x97: {  	v10 =	vsub.f32 v1, v10;
	v9 =	vmul.f32 $2.000000000e+01, v13;
	v7 =	vmul.f32 $5.000000070e-02, v7  }
0x98: {  	v1 =	vadd.f32 $5.000000070e-02, v6;
	v11 =	vmul.f32 $2.000000000e+01, v2;
	v6 =	vld.idx.msk [tilespmem:v15+s13+$0x0], $0xffff;
	(erf) = vpow2.f32 v14;
	v8 =	vpop (erf)  }
0x99: {  	v14 =	vmax.f32 v20, $-1.700000000e+01;
	v9 =	vtrunc.f32 v9;
	v17 =	vadd.f32 $1.000000000e+00, v8  }
0x9a: {  	v5 =	vsub.f32 v5, v7;
	v9 =	vcvt.f32.s32 v9;
	v11 =	vtrunc.f32 v11  }
0x9b: {  	v7 =	vmin.f32 v14, $8.000000000e+00;
	v14 =	vmul.f32 $2.000000000e+01, v1;
	v15 =	vld.idx.msk [tilespmem:v15+s12+$0x0], $0xffff;
	(erf) = vrcp.f32 v17;
	v8 =	vpop (erf)  }
0x9c: {  	v11 =	vcvt.f32.s32 v11;
	vm0 =	vgt.s32 v9, $0x0;
	v17 =	vmul.f32 v10, v12  }
0x9d: {  	v10 =	vtrunc.f32 v14;
	v9 =	vnsel vm0, $0x0, v9;
	v12 =	vadd.f32 $1.000000000e+00, v8  }
0x9e: {  	v10 =	vcvt.f32.s32 v10;
	v9 =	vmin.u32 v9, $0x1F4;
	v5 =	vmul.f32 v5, v6;
	v6 =	vpop (erf)  }
0x9f: {  	v7 =	vadd.f32 $1.700000000e+01, v7;
	v19 =	vcvt.s32.f32 v9;
	v8 =	vld.idx.msk [tilespmem:v3+s12+$0x0], $0xffff;
	v18 =	vadd.f32 $1.000000000e+00, v6  }
.Ltmp2:
0xa0: {  	vm0 =	vgt.s32 v11, $0x0;
	vm1 =	vgt.s32 v10, $0x0;
	(erf) = vrcp.f32 v12;
	(pc) =	sbr.rel @p0 .LBB2_5-.Ltmp2, $4  }
0xa1: {  	v6 =	vnsel vm1, $0x0, v10;
	v3 =	vmul.f32 $5.000000070e-02, v19;
	v12 =	vadd.f32 v5, v15;
	v14 =	vpop (erf)  }
0xa2: {  	v5 =	vadd.f32 $5.000000070e-02, v7;
	v15 =	vnsel vm0, $0x0, v11;
	v7 =	vmin.u32 v6, $0x1F4  }
0xa3: {  	v10 =	vsub.f32 v13, v3;
	v3 =	vmin.u32 v15, $0x1F4;
	v13 =	vadd.f32 $1.000000000e+00, v14;
	v11 =	vld.idx.msk [tilespmem:v9+s13+$0x0], $0xffff  }
0xa4: {  	s20 =	sadd.s32 $0x40, s20;
	v15 =	vmul.f32 $2.000000000e+01, v5;
	v14 =	vadd.f32 v17, v16;
	v9 =	vld.idx.msk [tilespmem:v9+s12+$0x0], $0xffff;
	v6 =	vpop (erf);
	(erf) = vrcp.f32 v18  }
0xa5: {  	_ = 	snop  }
0xa6: {  	v15 =	vtrunc.f32 v15  }
0xa7: {  	v15 =	vcvt.f32.s32 v15  }
0xa8: {  	v38 =	vsub.f32 $0.0e+00, v12;
	v4 =	vadd.f32 v4, v8;
	v10 =	vmul.f32 v10, v11  }
0xa9: {  	(erf) = vrcp.f32 v13;
	v45 =	vcvt.s32.f32 v7;
	vm0 =	vgt.s32 v15, $0x0  }
0xaa: {  	v39 =	vsub.f32 $0.0e+00, v14;
	v9 =	vadd.f32 v10, v9;
	v41 =	vnsel vm0, $0x0, v15  }
0xab: {  	v4 =	vsub.f32 $0.0e+00, v4;
	v40 =	vmul.f32 $1.442695020e+00, v38;
	v11 =	vmin.u32 v41, $0x1F4  }
0xac: {  	v48 =	vcvt.s32.f32 v3;
	v8 =	vmul.f32 $1.442695020e+00, v39;
	v9 =	vsub.f32 $0.0e+00, v9  }
0xad: {  	v4 =	vmul.f32 $1.442695020e+00, v4;
	(erf) = vpow2.f32 v40  }
0xae: {  	v43 =	vld.idx.msk [tilespmem:v3+s13+$0x0], $0xffff;
	(erf) = vpow2.f32 v8;
	v42 =	vmul.f32 $1.442695020e+00, v9  }
0xaf: {  	v47 =	vld.idx.msk [tilespmem:v7+s13+$0x0], $0xffff;
	(erf) = vpow2.f32 v4;
	v44 =	vcvt.s32.f32 v11  }
0xb0: {  	v52 =	vmul.f32 $5.000000070e-02, v48;
	(erf) = vpow2.f32 v42;
	v46 =	vld.idx.msk [tilespmem:v11+s13+$0x0], $0xffff  }
0xb1: {  	v3 =	vld.idx.msk [tilespmem:v3+s12+$0x0], $0xffff;
	v9 =	vmul.f32 $5.000000070e-02, v44  }
0xb2: {  	v2 =	vsub.f32 v2, v52;
	v8 =	vmul.f32 $5.000000070e-02, v45;
	v11 =	vld.idx.msk [tilespmem:v11+s12+$0x0], $0xffff  }
0xb3: {  	v50 =	vld.idx.msk [tilespmem:v7+s12+$0x0], $0xffff;
	v49 =	vpop (erf);
	v5 =	vsub.f32 v5, v9  }
0xb4: {  	v2 =	vmul.f32 v2, v43;
	v1 =	vsub.f32 v1, v8;
	v51 =	vpop (erf)  }
0xb5: {  	v53 =	vpop (erf);
	v5 =	vmul.f32 v5, v46  }
0xb6: {  	v2 =	vadd.f32 v2, v3;
	v1 =	vmul.f32 v1, v47;
	v54 =	vpop (erf)  }
0xb7: {  	v8 =	vadd.f32 $1.000000000e+00, v54;
	v55 =	vpop (erf);
	v5 =	vadd.f32 v5, v11  }
0xb8: {  	v1 =	vadd.f32 v1, v50;
	v9 =	vadd.f32 $1.000000000e+00, v55;
	v56 =	vpop (erf)  }
0xb9: {  	v57 =	vadd.f32 $1.000000000e+00, v56;
	(erf) = vrcp.f32 v8;
	v58 =	vpop (erf);
	v5 =	vsub.f32 $0.0e+00, v5  }
0xba: {  	v1 =	vsub.f32 $0.0e+00, v1;
	(erf) = vrcp.f32 v9;
	v59 =	vadd.f32 $1.000000000e+00, v58  }
0xbb: {  	v2 =	vsub.f32 $0.0e+00, v2;
	(erf) = vrcp.f32 v57;
	v3 =	vmul.f32 $1.442695020e+00, v5  }
0xbc: {  	v1 =	vmul.f32 $1.442695020e+00, v1;
	(erf) = vrcp.f32 v59  }
0xbd: {  	v2 =	vmul.f32 $1.442695020e+00, v2;
	(erf) = vpow2.f32 v3  }
0xbe: {  	(erf) = vpow2.f32 v1  }
0xbf: {  	(erf) = vpow2.f32 v2;
	_ =	sdelay $0x2  }
0xc0: {  	v1 =	vpop (erf)  }
0xc1: {  	v2 =	vpop (erf)  }
0xc2: {  	v3 =	vpop (erf)  }
0xc3: {  	v60 =	vpop (erf)  }
0xc4: {  	v61 =	vpop (erf)  }
0xc5: {  	v5 =	vadd.f32 $1.000000000e+00, v61;
	v62 =	vpop (erf)  }
0xc6: {  	v7 =	vadd.f32 $1.000000000e+00, v62;
	v63 =	vpop (erf)  }
0xc7: {  	(erf) = vrcp.f32 v5;
	v5 =	vadd.f32 $1.000000000e+00, v63  }
0xc8: {  	(erf) = vrcp.f32 v7  }
0xc9: {  	[tilespmem:s18+$0xFFFFFFE0] =	vst v6;
	(erf) = vrcp.f32 v5  }
0xca: {  	[tilespmem:s18+$0x10] =	vst v49  }
0xcb: {  	s17 =	sadd.s32 $0x40, s17;
	[tilespmem:s18+$0x0] =	vst v51  }
0xcc: {  	[tilespmem:s17+$0xFFFFFFF0] =	vst v53  }
0xcd: {  	[tilespmem:s17+$0xFFFFFFE0] =	vst v1  }
0xce: {  	[tilespmem:s17+$0x10] =	vst v2  }
0xcf: {  	s31 =	sadd.s32 $0x40, s17;
	[tilespmem:s17+$0x0] =	vst v3  }
0xd0: {  	[tilespmem:s31+$0xFFFFFFF0] =	vst v60;
	v1 =	vpop (erf)  }
0xd1: {  	s16 =	sadd.s32 $0x1, s16;
	v2 =	vpop (erf);
	[tilespmem:s31+$0xFFFFFFE0] =	vst v1  }
0xd2: {  	p0 =	sne.s32 s16, s7;
	[tilespmem:s31+$0x10] =	vst v2;
	v1 =	vpop (erf)  }
.Ltmp3:
0xd3: {  	[tilespmem:s31+$0x0] =	vst v1;
	(pc) =	sbr.rel @p0 .LBB2_2-.Ltmp3, $4  }
0xd4: {  	[hbm4b:s4+s2] =	stream.linear.scatter [tilespmem:s14], [sflag:$0x3], $0x1000, $0x38;
	[tilespmem:$0x2680] =	vst v63  }
0xd5: {  	_ =	swait.ge [sflag:s15], $0x1000  }
0xd6: {  	[sflag:s15] =	ssyncset.done $0x0  }
0xd7: {  	[sflag:s15] =	ssyncadd.s32 $0xFFFFF000  }
.LBB2_7:
0xd8: {  	_ =	sfence.sel $0x180000  }
0xd9: {  	[bflag:$0x0] =	sbarrier.arrive $0xFFFF  }
0xda: {  	p0 =	sne.s32 s1, $0x0;
	_ =	strace $0x90000047  }
0xdb: {  	s0 =	sadd.s32 @!p0 $0x100000, s0;
	[bflag:$0x2] =	sbarrier.arrive $0xFFFF  }
0xdc: {  	[sflag:s0] =	ssyncadd.tile.s32 @!p0 $0x1;
	_ =	shalt  }
.Lfunc_end2:
_tile_overlayer_lowered:
.L_overlay_start_2:
0xdd: {  	(tag) =	ssettag $0x2  }
0xde: {  	s0 =	rddreg [dreg:$0x0];
	s2 =	stileid.u32  }
0xdf: {  	s1 =	rddreg [dreg:$0x1];
	p0 =	sne.s32 s2, $0x0  }
0xe0: {  	s3 =	rddreg [dreg:$0x2];
	[bflag:$0x3] =	sbarrier.arrive $0xFFFF;
	s2 =	simm.s32 @!p0 $0x1C03  }
0xe1: {  	[timem:s3], [sflag:s2] =	dma.local @!p0 [hbm:s0], s1  }
0xe2: {  	s0 =	simm.s32 @!p0 $0x3  }
0xe3: {  	_ =	swait.ge @!p0 [sflag:s0], s1  }
0xe4: {  	s1 =	ssub.s32 @!p0 $0x0, s1;
	[sflag:s0] =	ssyncset.done @!p0 $0x0  }
0xe5: {  	[sflag:s0] =	ssyncadd.s32 @!p0 s1  }
0xe6: {  	[bflag:$0x3] =	sbarrier.arrive $0xFFFF  }
0xe7: {  	_ =	shalt  }

</sc_bundles>
